<compile_context>
chip_gen: v7x
topology: tpu7x:2x2x1
jax: 0.10.2.dev20260603
libtpu: 0.0.44.dev20260713+nightly
codegen_flags: <defaults>
</compile_context>

<pallas_src>
import functools

import jax
import jax.numpy as jnp
from jax.experimental import pallas as pl
from jax.experimental.pallas import tpu as pltpu
from jax.experimental.pallas import tpu_sc as plsc

_ROWS = 5
_ADDRS = 512


def _adder_body(a_hbm, b_hbm, c_hbm, mem_hbm, sum_hbm, carry_hbm,
                a_s, b_s, c_s, col_s, sum_s, carry_s, sem):
    d1 = pltpu.async_copy(a_hbm, a_s, sem)
    d2 = pltpu.async_copy(b_hbm, b_s, sem)
    d3 = pltpu.async_copy(c_hbm, c_s, sem)
    d1.wait()
    d2.wait()
    d3.wait()
    addr = ((a_s[0] & 15) << 5) | ((b_s[0] & 15) << 1) | c_s[0]
    base = pl.multiple_of((addr >> 3) << 3, 8)
    ds = [
        pltpu.async_copy(mem_hbm.at[pl.ds(base + _ADDRS * k, 8)],
                         col_s.at[pl.ds(8 * k, 8)], sem)
        for k in range(_ROWS)
    ]
    for d in ds:
        d.wait()
    j = addr & 7
    sum_s[0] = (col_s[j] * 8.0 + col_s[8 + j] * 4.0
                + col_s[16 + j] * 2.0 + col_s[24 + j])
    carry_s[0] = col_s[32 + j]
    o1 = pltpu.async_copy(sum_s, sum_hbm, sem)
    o2 = pltpu.async_copy(carry_s, carry_hbm, sem)
    o1.wait()
    o2.wait()


@functools.cache
def _adder_call():
    return pl.kernel(
        _adder_body,
        out_type=(jax.ShapeDtypeStruct((1,), jnp.float32),
                  jax.ShapeDtypeStruct((1,), jnp.float32)),
        mesh=plsc.ScalarSubcoreMesh(axis_name="c", num_cores=1),
        scratch_types=[
            pltpu.SMEM((1,), jnp.int32),
            pltpu.SMEM((1,), jnp.int32),
            pltpu.SMEM((1,), jnp.int32),
            pltpu.SMEM((_ROWS * 8,), jnp.float32),
            pltpu.SMEM((1,), jnp.float32),
            pltpu.SMEM((1,), jnp.float32),
            pltpu.SemaphoreType.DMA,
        ],
        compiler_params=pltpu.CompilerParams(use_tc_tiling_on_sc=False,
                                             needs_layout_passes=False),
    )


def kernel(a, b, carry, memory):
    a1 = jnp.asarray(a, jnp.int32).reshape((1,))
    b1 = jnp.asarray(b, jnp.int32).reshape((1,))
    c1 = jnp.asarray(carry, jnp.int32).reshape((1,))
    sum_o, carry_o = _adder_call()(a1, b1, c1, memory.reshape((-1,)))
    return sum_o.reshape(()), carry_o.reshape(())

# --- scband reference (transcript-rebuilt; emitter-appended) ---
"""Pipeline reference for scband-learned-full-adder-25383256719712 (READ-ONLY COPY).

The authoritative reference and input builder live on the scoring server;
editing this copy changes nothing except your own understanding.
"""

import jax, jax.numpy as jnp
import numpy as np

BASE = 10
INPUT_BITS = 9
OUTPUT_BITS = 5


def _encode(a, b, carry):
    a_bits = [(a >> i) & 1 for i in range(3, -1, -1)]
    b_bits = [(b >> i) & 1 for i in range(3, -1, -1)]
    return a_bits + b_bits + [carry]


def _address(bits):
    addr = 0
    for bit in bits:
        addr = (addr << 1) | bit
    return addr


def _train_memory():
    # Reconstruction of RAMLayer.commit over all (a, b, carry) patterns:
    # scatter-overwrite of the target output bits into each neuron's RAM
    # at the address formed by the encoded input bits.
    mem = np.zeros((OUTPUT_BITS, 2 ** INPUT_BITS), dtype=np.float32)
    for a in range(BASE):
        for b in range(BASE):
            for carry in range(2):
                total = a + b + carry
                s = total % BASE
                c = 1 if total >= BASE else 0
                addr = _address(_encode(a, b, carry))
                out_bits = [(s >> i) & 1 for i in range(3, -1, -1)] + [c]
                mem[:, addr] = np.array(out_bits, dtype=np.float32)
    return mem


def setup_inputs() -> dict:
    mem = _train_memory()
    return {"a": 7, "b": 5, "carry": 1, "memory": jnp.asarray(mem)}


def reference(a, b, carry, memory):
    # RAMLayer forward: gather each neuron's RAM cell at the input address.
    bits = _encode(a, b, carry)
    addr = _address(bits)
    out_bits = memory[:, addr]
    # _decode_output for base 10: first 4 bits -> sum digit, last bit -> carry_out
    sum_val = out_bits[0] * 8.0 + out_bits[1] * 4.0 + out_bits[2] * 2.0 + out_bits[3]
    carry_out = out_bits[4]
    return (sum_val, carry_out)

if __name__ == "__main__":
    import jax
    _d = setup_inputs()
    print(jax.jit(kernel)(*tuple(_d.values())))

</pallas_src>

<mosaic_0001>
#map = affine_map<(d0) -> (0)>
module attributes {stable_mosaic.version = 14 : i64} {
  func.func @_adder_body(%arg0: i32, %arg1: memref<1xi32, #tpu.memory_space<hbm>>, %arg2: memref<1xi32, #tpu.memory_space<hbm>>, %arg3: memref<1xi32, #tpu.memory_space<hbm>>, %arg4: memref<2560xf32, #tpu.memory_space<hbm>>, %arg5: memref<1xf32, #tpu.memory_space<hbm>>, %arg6: memref<1xf32, #tpu.memory_space<hbm>>, %arg7: memref<1xi32, #tpu.memory_space<smem>>, %arg8: memref<1xi32, #tpu.memory_space<smem>>, %arg9: memref<1xi32, #tpu.memory_space<smem>>, %arg10: memref<40xf32, #tpu.memory_space<smem>>, %arg11: memref<1xf32, #tpu.memory_space<smem>>, %arg12: memref<1xf32, #tpu.memory_space<smem>>, %arg13: memref<!tpu.dma_semaphore, #tpu.memory_space<semaphore_mem>>) attributes {dimension_semantics = [#tpu.dimension_semantics<core_parallel>], iteration_bounds = array<i64: 1>, scalar_prefetch = 0 : i64, scratch_operands = 7 : i64, tpu.core_type = #tpu.core_type<sc_scalar_subcore>, window_params = [{transform_indices = #map}, {transform_indices = #map}, {transform_indices = #map}, {transform_indices = #map}, {transform_indices = #map}, {transform_indices = #map}]} {
    tpu.enqueue_dma source(%arg1 : memref<1xi32, #tpu.memory_space<hbm>>) target(%arg7 : memref<1xi32, #tpu.memory_space<smem>>) target_semaphore(%arg13 : memref<!tpu.dma_semaphore, #tpu.memory_space<semaphore_mem>>)
    tpu.enqueue_dma source(%arg2 : memref<1xi32, #tpu.memory_space<hbm>>) target(%arg8 : memref<1xi32, #tpu.memory_space<smem>>) target_semaphore(%arg13 : memref<!tpu.dma_semaphore, #tpu.memory_space<semaphore_mem>>)
    tpu.enqueue_dma source(%arg3 : memref<1xi32, #tpu.memory_space<hbm>>) target(%arg9 : memref<1xi32, #tpu.memory_space<smem>>) target_semaphore(%arg13 : memref<!tpu.dma_semaphore, #tpu.memory_space<semaphore_mem>>)
    tpu.wait_dma2 semaphore(%arg13 : memref<!tpu.dma_semaphore, #tpu.memory_space<semaphore_mem>>) src(%arg1 : memref<1xi32, #tpu.memory_space<hbm>>) dst(%arg7 : memref<1xi32, #tpu.memory_space<smem>>)
    tpu.wait_dma2 semaphore(%arg13 : memref<!tpu.dma_semaphore, #tpu.memory_space<semaphore_mem>>) src(%arg2 : memref<1xi32, #tpu.memory_space<hbm>>) dst(%arg8 : memref<1xi32, #tpu.memory_space<smem>>)
    tpu.wait_dma2 semaphore(%arg13 : memref<!tpu.dma_semaphore, #tpu.memory_space<semaphore_mem>>) src(%arg3 : memref<1xi32, #tpu.memory_space<hbm>>) dst(%arg9 : memref<1xi32, #tpu.memory_space<smem>>)
    %get3A = arith.constant 0 : i32
    %get3A_0 = arith.index_cast %get3A : i32 to index
    %get3A_1 = memref.load %arg7[%get3A_0] : memref<1xi32, #tpu.memory_space<smem>>
    %and3A = arith.constant 15 : i32
    %and3A_2 = arith.andi %get3A_1, %and3A : i32
    %shift_left3A = arith.constant 5 : i32
    %shift_left3A_3 = arith.shli %and3A_2, %shift_left3A : i32
    %get3A_4 = arith.constant 0 : i32
    %get3A_5 = arith.index_cast %get3A_4 : i32 to index
    %get3A_6 = memref.load %arg8[%get3A_5] : memref<1xi32, #tpu.memory_space<smem>>
    %and3A_7 = arith.constant 15 : i32
    %and3A_8 = arith.andi %get3A_6, %and3A_7 : i32
    %shift_left3A_9 = arith.constant 1 : i32
    %shift_left3A_10 = arith.shli %and3A_8, %shift_left3A_9 : i32
    %or3A = arith.ori %shift_left3A_3, %shift_left3A_10 : i32
    %get3A_11 = arith.constant 0 : i32
    %get3A_12 = arith.index_cast %get3A_11 : i32 to index
    %get3A_13 = memref.load %arg9[%get3A_12] : memref<1xi32, #tpu.memory_space<smem>>
    %or3A_14 = arith.ori %or3A, %get3A_13 : i32
    %shift_right_arithmetic3A = arith.constant 3 : i32
    %shift_right_arithmetic3A_15 = arith.shrsi %or3A_14, %shift_right_arithmetic3A : i32
    %shift_left3A_16 = arith.constant 3 : i32
    %shift_left3A_17 = arith.shli %shift_right_arithmetic3A_15, %shift_left3A_16 : i32
    %multiple_of3A = tpu.assume_multiple %shift_left3A_17, 8 : i32
    %add3A = arith.constant 0 : i32
    %add3A_18 = arith.addi %multiple_of3A, %add3A : i32
    %dma_start3A = arith.constant 0 : i32
    %dma_start3A_19 = tpu.memref_slice %arg10[%dma_start3A] : memref<40xf32, #tpu.memory_space<smem>> -> memref<8xf32, #tpu.memory_space<smem>>
    %dma_start3A_20 = tpu.memref_slice %arg4[%add3A_18] : memref<2560xf32, #tpu.memory_space<hbm>> -> memref<8xf32, #tpu.memory_space<hbm>>
    tpu.enqueue_dma source(%dma_start3A_20 : memref<8xf32, #tpu.memory_space<hbm>>) target(%dma_start3A_19 : memref<8xf32, #tpu.memory_space<smem>>) target_semaphore(%arg13 : memref<!tpu.dma_semaphore, #tpu.memory_space<semaphore_mem>>)
    %add3A_21 = arith.constant 512 : i32
    %add3A_22 = arith.addi %multiple_of3A, %add3A_21 : i32
    %dma_start3A_23 = arith.constant 8 : i32
    %dma_start3A_24 = tpu.memref_slice %arg10[%dma_start3A_23] : memref<40xf32, #tpu.memory_space<smem>> -> memref<8xf32, #tpu.memory_space<smem>>
    %dma_start3A_25 = tpu.memref_slice %arg4[%add3A_22] : memref<2560xf32, #tpu.memory_space<hbm>> -> memref<8xf32, #tpu.memory_space<hbm>>
    tpu.enqueue_dma source(%dma_start3A_25 : memref<8xf32, #tpu.memory_space<hbm>>) target(%dma_start3A_24 : memref<8xf32, #tpu.memory_space<smem>>) target_semaphore(%arg13 : memref<!tpu.dma_semaphore, #tpu.memory_space<semaphore_mem>>)
    %add3A_26 = arith.constant 1024 : i32
    %add3A_27 = arith.addi %multiple_of3A, %add3A_26 : i32
    %dma_start3A_28 = arith.constant 16 : i32
    %dma_start3A_29 = tpu.memref_slice %arg10[%dma_start3A_28] : memref<40xf32, #tpu.memory_space<smem>> -> memref<8xf32, #tpu.memory_space<smem>>
    %dma_start3A_30 = tpu.memref_slice %arg4[%add3A_27] : memref<2560xf32, #tpu.memory_space<hbm>> -> memref<8xf32, #tpu.memory_space<hbm>>
    tpu.enqueue_dma source(%dma_start3A_30 : memref<8xf32, #tpu.memory_space<hbm>>) target(%dma_start3A_29 : memref<8xf32, #tpu.memory_space<smem>>) target_semaphore(%arg13 : memref<!tpu.dma_semaphore, #tpu.memory_space<semaphore_mem>>)
    %add3A_31 = arith.constant 1536 : i32
    %add3A_32 = arith.addi %multiple_of3A, %add3A_31 : i32
    %dma_start3A_33 = arith.constant 24 : i32
    %dma_start3A_34 = tpu.memref_slice %arg10[%dma_start3A_33] : memref<40xf32, #tpu.memory_space<smem>> -> memref<8xf32, #tpu.memory_space<smem>>
    %dma_start3A_35 = tpu.memref_slice %arg4[%add3A_32] : memref<2560xf32, #tpu.memory_space<hbm>> -> memref<8xf32, #tpu.memory_space<hbm>>
    tpu.enqueue_dma source(%dma_start3A_35 : memref<8xf32, #tpu.memory_space<hbm>>) target(%dma_start3A_34 : memref<8xf32, #tpu.memory_space<smem>>) target_semaphore(%arg13 : memref<!tpu.dma_semaphore, #tpu.memory_space<semaphore_mem>>)
    %add3A_36 = arith.constant 2048 : i32
    %add3A_37 = arith.addi %multiple_of3A, %add3A_36 : i32
    %dma_start3A_38 = arith.constant 32 : i32
    %dma_start3A_39 = tpu.memref_slice %arg10[%dma_start3A_38] : memref<40xf32, #tpu.memory_space<smem>> -> memref<8xf32, #tpu.memory_space<smem>>
    %dma_start3A_40 = tpu.memref_slice %arg4[%add3A_37] : memref<2560xf32, #tpu.memory_space<hbm>> -> memref<8xf32, #tpu.memory_space<hbm>>
    tpu.enqueue_dma source(%dma_start3A_40 : memref<8xf32, #tpu.memory_space<hbm>>) target(%dma_start3A_39 : memref<8xf32, #tpu.memory_space<smem>>) target_semaphore(%arg13 : memref<!tpu.dma_semaphore, #tpu.memory_space<semaphore_mem>>)
    %dma_wait3A = arith.constant 0 : i32
    %dma_wait3A_41 = tpu.memref_slice %arg10[%dma_wait3A] : memref<40xf32, #tpu.memory_space<smem>> -> memref<8xf32, #tpu.memory_space<smem>>
    %dma_wait3A_42 = tpu.memref_slice %arg4[%add3A_18] : memref<2560xf32, #tpu.memory_space<hbm>> -> memref<8xf32, #tpu.memory_space<hbm>>
    tpu.wait_dma2 semaphore(%arg13 : memref<!tpu.dma_semaphore, #tpu.memory_space<semaphore_mem>>) src(%dma_wait3A_42 : memref<8xf32, #tpu.memory_space<hbm>>) dst(%dma_wait3A_41 : memref<8xf32, #tpu.memory_space<smem>>)
    %dma_wait3A_43 = arith.constant 8 : i32
    %dma_wait3A_44 = tpu.memref_slice %arg10[%dma_wait3A_43] : memref<40xf32, #tpu.memory_space<smem>> -> memref<8xf32, #tpu.memory_space<smem>>
    %dma_wait3A_45 = tpu.memref_slice %arg4[%add3A_22] : memref<2560xf32, #tpu.memory_space<hbm>> -> memref<8xf32, #tpu.memory_space<hbm>>
    tpu.wait_dma2 semaphore(%arg13 : memref<!tpu.dma_semaphore, #tpu.memory_space<semaphore_mem>>) src(%dma_wait3A_45 : memref<8xf32, #tpu.memory_space<hbm>>) dst(%dma_wait3A_44 : memref<8xf32, #tpu.memory_space<smem>>)
    %dma_wait3A_46 = arith.constant 16 : i32
    %dma_wait3A_47 = tpu.memref_slice %arg10[%dma_wait3A_46] : memref<40xf32, #tpu.memory_space<smem>> -> memref<8xf32, #tpu.memory_space<smem>>
    %dma_wait3A_48 = tpu.memref_slice %arg4[%add3A_27] : memref<2560xf32, #tpu.memory_space<hbm>> -> memref<8xf32, #tpu.memory_space<hbm>>
    tpu.wait_dma2 semaphore(%arg13 : memref<!tpu.dma_semaphore, #tpu.memory_space<semaphore_mem>>) src(%dma_wait3A_48 : memref<8xf32, #tpu.memory_space<hbm>>) dst(%dma_wait3A_47 : memref<8xf32, #tpu.memory_space<smem>>)
    %dma_wait3A_49 = arith.constant 24 : i32
    %dma_wait3A_50 = tpu.memref_slice %arg10[%dma_wait3A_49] : memref<40xf32, #tpu.memory_space<smem>> -> memref<8xf32, #tpu.memory_space<smem>>
    %dma_wait3A_51 = tpu.memref_slice %arg4[%add3A_32] : memref<2560xf32, #tpu.memory_space<hbm>> -> memref<8xf32, #tpu.memory_space<hbm>>
    tpu.wait_dma2 semaphore(%arg13 : memref<!tpu.dma_semaphore, #tpu.memory_space<semaphore_mem>>) src(%dma_wait3A_51 : memref<8xf32, #tpu.memory_space<hbm>>) dst(%dma_wait3A_50 : memref<8xf32, #tpu.memory_space<smem>>)
    %dma_wait3A_52 = arith.constant 32 : i32
    %dma_wait3A_53 = tpu.memref_slice %arg10[%dma_wait3A_52] : memref<40xf32, #tpu.memory_space<smem>> -> memref<8xf32, #tpu.memory_space<smem>>
    %dma_wait3A_54 = tpu.memref_slice %arg4[%add3A_37] : memref<2560xf32, #tpu.memory_space<hbm>> -> memref<8xf32, #tpu.memory_space<hbm>>
    tpu.wait_dma2 semaphore(%arg13 : memref<!tpu.dma_semaphore, #tpu.memory_space<semaphore_mem>>) src(%dma_wait3A_54 : memref<8xf32, #tpu.memory_space<hbm>>) dst(%dma_wait3A_53 : memref<8xf32, #tpu.memory_space<smem>>)
    %and3A_55 = arith.constant 7 : i32
    %and3A_56 = arith.andi %or3A_14, %and3A_55 : i32
    %get3A_57 = arith.index_cast %and3A_56 : i32 to index
    %get3A_58 = memref.load %arg10[%get3A_57] : memref<40xf32, #tpu.memory_space<smem>>
    %mul3A = arith.constant 8.000000e+00 : f32
    %mul3A_59 = arith.mulf %get3A_58, %mul3A : f32
    %add3A_60 = arith.constant 8 : i32
    %add3A_61 = arith.addi %add3A_60, %and3A_56 : i32
    %get3A_62 = arith.index_cast %add3A_61 : i32 to index
    %get3A_63 = memref.load %arg10[%get3A_62] : memref<40xf32, #tpu.memory_space<smem>>
    %mul3A_64 = arith.constant 4.000000e+00 : f32
    %mul3A_65 = arith.mulf %get3A_63, %mul3A_64 : f32
    %add3A_66 = arith.addf %mul3A_59, %mul3A_65 : f32
    %add3A_67 = arith.constant 16 : i32
    %add3A_68 = arith.addi %add3A_67, %and3A_56 : i32
    %get3A_69 = arith.index_cast %add3A_68 : i32 to index
    %get3A_70 = memref.load %arg10[%get3A_69] : memref<40xf32, #tpu.memory_space<smem>>
    %mul3A_71 = arith.constant 2.000000e+00 : f32
    %mul3A_72 = arith.mulf %get3A_70, %mul3A_71 : f32
    %add3A_73 = arith.addf %add3A_66, %mul3A_72 : f32
    %add3A_74 = arith.constant 24 : i32
    %add3A_75 = arith.addi %add3A_74, %and3A_56 : i32
    %get3A_76 = arith.index_cast %add3A_75 : i32 to index
    %get3A_77 = memref.load %arg10[%get3A_76] : memref<40xf32, #tpu.memory_space<smem>>
    %add3A_78 = arith.addf %add3A_73, %get3A_77 : f32
    %swap3A = arith.constant 0 : i32
    %swap3A_79 = arith.index_cast %swap3A : i32 to index
    %swap3A_80 = memref.load %arg11[%swap3A_79] : memref<1xf32, #tpu.memory_space<smem>>
    memref.store %add3A_78, %arg11[%swap3A_79] : memref<1xf32, #tpu.memory_space<smem>>
    %add3A_81 = arith.constant 32 : i32
    %add3A_82 = arith.addi %add3A_81, %and3A_56 : i32
    %get3A_83 = arith.index_cast %add3A_82 : i32 to index
    %get3A_84 = memref.load %arg10[%get3A_83] : memref<40xf32, #tpu.memory_space<smem>>
    %swap3A_85 = arith.constant 0 : i32
    %swap3A_86 = arith.index_cast %swap3A_85 : i32 to index
    %swap3A_87 = memref.load %arg12[%swap3A_86] : memref<1xf32, #tpu.memory_space<smem>>
    memref.store %get3A_84, %arg12[%swap3A_86] : memref<1xf32, #tpu.memory_space<smem>>
    tpu.enqueue_dma source(%arg11 : memref<1xf32, #tpu.memory_space<smem>>) target(%arg5 : memref<1xf32, #tpu.memory_space<hbm>>) target_semaphore(%arg13 : memref<!tpu.dma_semaphore, #tpu.memory_space<semaphore_mem>>)
    tpu.enqueue_dma source(%arg12 : memref<1xf32, #tpu.memory_space<smem>>) target(%arg6 : memref<1xf32, #tpu.memory_space<hbm>>) target_semaphore(%arg13 : memref<!tpu.dma_semaphore, #tpu.memory_space<semaphore_mem>>)
    tpu.wait_dma2 semaphore(%arg13 : memref<!tpu.dma_semaphore, #tpu.memory_space<semaphore_mem>>) src(%arg11 : memref<1xf32, #tpu.memory_space<smem>>) dst(%arg5 : memref<1xf32, #tpu.memory_space<hbm>>)
    tpu.wait_dma2 semaphore(%arg13 : memref<!tpu.dma_semaphore, #tpu.memory_space<semaphore_mem>>) src(%arg12 : memref<1xf32, #tpu.memory_space<smem>>) dst(%arg6 : memref<1xf32, #tpu.memory_space<hbm>>)
    return
  }
}

</mosaic_0001>

<sc_bundles>
// kernel: kernel.3.cloned.1.call-start
scs
__scs_entry_jumppad:
0x0: {  	(pc) =	sbr.rel $0x88, $3  }
0x1: {  	(tag) =	ssettag $0x0;
	lr =	simm.s32 $0x1  }
0x2: {  	[smem:$0x3F9D] =	sst lr;
	_ =	strace $0xD0000000  }
0x3: {  	_ = 	snop  }
0x4: {  	_ = 	snop  }
0x5: {  	_ = 	snop  }
0x6: {  	_ = 	snop  }
0x7: {  	_ = 	snop  }
__scs_overlays_trampoline_lowered:
0x8: {  	[smem:$0x3FAC] =	sst s0  }
0x9: {  	[smem:$0x3FAD] =	sst s1  }
0xa: {  	[smem:$0x3FAE] =	sst s2  }
0xb: {  	[smem:$0x3FAF] =	sst s3  }
0xc: {  	[smem:$0x3FB0] =	sst s4  }
0xd: {  	[smem:$0x3FB1] =	sst s5  }
0xe: {  	[smem:$0x3FB2] =	sst s6  }
0xf: {  	[smem:$0x3FB3] =	sst s7  }
0x10: {  	[smem:$0x3FB4] =	sst s8  }
0x11: {  	[smem:$0x3FB5] =	sst s9;
	s0 =	simm.s32 @!p0 $0x0  }
0x12: {  	s1 =	sld [smem:$0x3F9B];
	s0 =	simm.s32 @p0 $0x1  }
0x13: {  	[smem:$0x3FB6] =	sst s0;
	s0 =	simm.s32 @!p1 $0x0  }
0x14: {  	s2 =	sld [smem:$0x3F9A];
	s0 =	simm.s32 @p1 $0x1  }
0x15: {  	[smem:$0x3FB7] =	sst s0;
	s0 =	simm.s32 @!p2 $0x0  }
0x16: {  	s3 =	sld [smem:$0x3FDB];
	s0 =	simm.s32 @p2 $0x1  }
0x17: {  	s4 =	simm.s32 $0x1BF5;
	[smem:$0x3FB9] =	sst s0  }
0x18: {  	s0 =	sld [smem:$0x3F9C];
	_ =	swait.ge [sflag:s4], $0x0  }
0x19: {  	s7 =	sld [smem:$0x3F9D]  }
0x1a: {  	s8 =	sadd.s32 $0xFFFFE003, lr  }
0x1b: {  	s9 =	sadd.s32 $0xFFFFFEF7, lr;
	s5 =	simm.s32 $0xFFFFFFFF;
	p2 =	slt.u32 s8, $0xFFFFF086  }
0x1c: {  	p1 =	slt.u32 s9, $0xF7A;
	s5 =	simm.s32 @!p2 $0x0  }
0x1d: {  	s5 =	simm.s32 @p1 $0x1;
	p0 =	seq.s32 s7, s2  }
0x1e: {  	s7 =	smul.u32 @!p0 $0xF7A, s2;
	p2 =	seq.s32 @!p0 s5, $0x0  }
0x1f: {  	s9 =	smul.u32 $0xF7A, s1;
	s8 =	simm.s32 @!p0 $0x1BF5;
	p2 =	por !p2, p0  }
0x20: {  	[sflag:s8] =	ssyncset.s32 @!p0 $0xFFFFF086;
	s6 =	sadd.s32 @!p0 s3, s7;
	s7 =	simm.s32 @!p0 $0x108  }
0x21: {  	s3 =	sadd.s32 s3, s9;
	s6 =	sadd.s32 @!p0 $0x88, s6;
	s7 =	simm.s32 @p2 $0x1082  }
0x22: {  	[simem:s7], [sflag:s8] =	dma.local @!p0 [hbm:s6], $0xF7A  }
0x23: {  	s9 =	sor.u32 $0xD0000000, s2;
	s6 =	simm.s32 $0x108;
	_ =	swait.ge @!p0 [sflag:s8], $0x0  }
0x24: {  	s3 =	sadd.s32 $0x88, s3;
	s6 =	simm.s32 @!p1 $0x1082;
	[sflag:s4] =	ssyncset.s32 $0xFFFFF086  }
0x25: {  	[simem:s6], [sflag:s4] =	dma.local [hbm:s3], $0xF7A  }
0x26: {  	[smem:$0x3F9D] =	sst s1;
	(tag) =	ssettag s2;
	_ =	strace s9  }
0x27: {  	s1 =	sld [smem:$0x3FAD]  }
0x28: {  	s2 =	sld [smem:$0x3FAE]  }
0x29: {  	s4 =	sld [smem:$0x3FB0]  }
0x2a: {  	p0 =	seq.s32 s5, $0x0;
	s5 =	sld [smem:$0x3FB1]  }
0x2b: {  	s6 =	sld [smem:$0x3FB2]  }
0x2c: {  	s7 =	sld [smem:$0x3FB3]  }
0x2d: {  	s3 =	simm.s32 $0x108;
	s8 =	sld [smem:$0x3FB4]  }
0x2e: {  	s3 =	simm.s32 @!p0 $0x1082;
	s9 =	sld [smem:$0x3FB5]  }
0x2f: {  	lr =	sadd.s32 s0, s3;
	s0 =	sld [smem:$0x3FAC]  }
0x30: {  	s3 =	sld [smem:$0x3FAF]  }
0x31: {  	[smem:$0x3FB8] =	sst s10  }
0x32: {  	s10 =	sld [smem:$0x3FB6];
	_ =	sdelay $0x3  }
0x33: {  	p0 =	seq.s32 s10, $0x1;
	s10 =	sld [smem:$0x3FB8];
	_ =	sdelay $0x3  }
0x34: {  	[smem:$0x3FB8] =	sst s10  }
0x35: {  	s10 =	sld [smem:$0x3FB7];
	_ =	sdelay $0x3  }
0x36: {  	p1 =	seq.s32 s10, $0x1;
	s10 =	sld [smem:$0x3FB8];
	_ =	sdelay $0x3  }
0x37: {  	[smem:$0x3FB8] =	sst s10  }
0x38: {  	s10 =	sld [smem:$0x3FB9]  }
0x39: {  	_ = 	snop;
	(pc) =	sbr.ind lr, $3  }
0x3a: {  	_ = 	snop  }
0x3b: {  	_ = 	snop  }
0x3c: {  	p2 =	seq.s32 s10, $0x1;
	s10 =	sld [smem:$0x3FB8]  }
0x3d: {  	_ =	shalt  }
0x3e: {  	_ =	shalt  }
0x3f: {  	_ =	shalt  }
0x40: {  	_ =	shalt  }
0x41: {  	_ =	shalt  }
0x42: {  	_ =	shalt  }
0x43: {  	_ =	shalt  }
0x44: {  	_ =	shalt  }
0x45: {  	_ =	shalt  }
0x46: {  	_ =	shalt  }
0x47: {  	_ =	shalt  }
0x48: {  	_ =	shalt  }
0x49: {  	_ =	shalt  }
0x4a: {  	_ =	shalt  }
0x4b: {  	_ =	shalt  }
0x4c: {  	_ =	shalt  }
0x4d: {  	_ =	shalt  }
0x4e: {  	_ =	shalt  }
0x4f: {  	_ =	shalt  }
0x50: {  	_ =	shalt  }
0x51: {  	_ =	shalt  }
0x52: {  	_ =	shalt  }
0x53: {  	_ =	shalt  }
0x54: {  	_ =	shalt  }
0x55: {  	_ =	shalt  }
0x56: {  	_ =	shalt  }
0x57: {  	_ =	shalt  }
0x58: {  	_ =	shalt  }
0x59: {  	_ =	shalt  }
0x5a: {  	_ =	shalt  }
0x5b: {  	_ =	shalt  }
0x5c: {  	_ =	shalt  }
0x5d: {  	_ =	shalt  }
0x5e: {  	_ =	shalt  }
0x5f: {  	_ =	shalt  }
0x60: {  	_ =	shalt  }
0x61: {  	_ =	shalt  }
0x62: {  	_ =	shalt  }
0x63: {  	_ =	shalt  }
0x64: {  	_ =	shalt  }
0x65: {  	_ =	shalt  }
0x66: {  	_ =	shalt  }
0x67: {  	_ =	shalt  }
0x68: {  	_ =	shalt  }
0x69: {  	_ =	shalt  }
0x6a: {  	_ =	shalt  }
0x6b: {  	_ =	shalt  }
0x6c: {  	_ =	shalt  }
0x6d: {  	_ =	shalt  }
0x6e: {  	_ =	shalt  }
0x6f: {  	_ =	shalt  }
0x70: {  	_ =	shalt  }
0x71: {  	_ =	shalt  }
0x72: {  	_ =	shalt  }
0x73: {  	_ =	shalt  }
0x74: {  	_ =	shalt  }
0x75: {  	_ =	shalt  }
0x76: {  	_ =	shalt  }
0x77: {  	_ =	shalt  }
0x78: {  	_ =	shalt  }
0x79: {  	_ =	shalt  }
0x7a: {  	_ =	shalt  }
0x7b: {  	_ =	shalt  }
0x7c: {  	_ =	shalt  }
0x7d: {  	_ =	shalt  }
0x7e: {  	_ =	shalt  }
0x7f: {  	_ =	shalt  }
0x80: {  	_ =	shalt  }
0x81: {  	_ =	shalt  }
0x82: {  	_ =	shalt  }
0x83: {  	_ =	shalt  }
0x84: {  	_ =	shalt  }
0x85: {  	_ =	shalt  }
0x86: {  	_ =	shalt  }
0x87: {  	_ =	shalt  }
.Lfunc_end0:
.L_simem_size_0:
called_computation_lowered:
.L_overlay_start_0:
0x88: {  	s0 =	sld [smem:$0x3FD9]  }
0x89: {  	s1 =	sld [smem:$0x3FFE];
	_ =	sdelay $0x3  }
0x8a: {  	s0 =	sadd.s32 s1, s0  }
0x8b: {  	[smem:$0x3FC4] =	sst s0  }
0x8c: {  	_ = 	snop  }
0x8d: {  	s0 =	sld [smem:$0x3FD0]  }
0x8e: {  	s3 =	sld [smem:$0x3FC9]  }
0x8f: {  	s4 =	sld [smem:$0x3FC8]  }
0x90: {  	s24 =	simm.s32 $0xA;
	s2 =	simm.s32 $0x60;
	s5 =	sld [smem:$0x3FC7]  }
0x91: {  	[smem:s2], [sflag:s24] =	dma.local [hbm:s0], $0x1  }
0x92: {  	_ =	swait.eq [sflag:s24], $0x1  }
0x93: {  	[sflag:s24] =	ssyncset.done $0x0;
	s0 =	sld [smem:$0x60]  }
0x94: {  	s25 =	simm.s32 $0x0;
	s1 =	sld [smem:$0x61];
	[sflag:s24] =	ssyncadd.s32 $0xFFFFFFFF  }
0x95: {  	[smem:$0xF] =	sst s25  }
0x96: {  	(tm) =	ssettm $0x1  }
0x97: {  	s26 =	sld [smem:$0x3FFB];
	_ =	sdelay $0x3  }
0x98: {  	_ =	strace s26  }
0x99: {  	s2 =	sld [smem:$0x3FFC];
	_ =	sdelay $0x3  }
0x9a: {  	_ =	strace s2  }
0x9b: {  	s2 =	sld [smem:$0x3FFD];
	_ =	sdelay $0x3  }
0x9c: {  	_ =	strace s2  }
0x9d: {  	s28 =	simm.s32 $0x1B8B;
	_ =	strace $0x8FFFFFFF  }
0x9e: {  	_ =	swait.ge [sflag:s28], $0x1  }
0x9f: {  	[sflag:s28] =	ssyncset.done $0x0  }
0xa0: {  	s29 =	simm.s32 $0x1B8E;
	[sflag:s28] =	ssyncadd.s32 $0xFFFFFFFF  }
0xa1: {  	s30 =	simm.s32 $0x9;
	s7 =	simm.s32 $0x10;
	[smem:$0x3FD2] =	sst s29  }
0xa2: {  	s31 =	simm.s32 $0x18;
	s6 =	sld [smem:$0x3FFE];
	_ =	strace $0x80000046  }
0xa3: {  	[smem:s7], [sflag:s30] =	dma.local [hbm:s3], $0x1  }
0xa4: {  	[smem:s31], [sflag:s30] =	dma.local [hbm:s4], $0x1  }
0xa5: {  	s4 =	simm.s32 $0x20  }
0xa6: {  	[smem:s4], [sflag:s30] =	dma.local [hbm:s5], $0x1  }
0xa7: {  	_ =	swait.ge [sflag:s30], $0x1  }
0xa8: {  	[sflag:s30] =	ssyncset.done $0x0  }
0xa9: {  	[sflag:s30] =	ssyncadd.s32 $0xFFFFFFFF;
	_ =	sdelay $0x2  }
0xaa: {  	_ =	swait.ge [sflag:s30], $0x1  }
0xab: {  	[sflag:s30] =	ssyncset.done $0x0  }
0xac: {  	[sflag:s30] =	ssyncadd.s32 $0xFFFFFFFF;
	_ =	sdelay $0x2  }
0xad: {  	_ =	swait.ge [sflag:s30], $0x1  }
0xae: {  	[sflag:s30] =	ssyncset.done $0x0  }
0xaf: {  	[sflag:s30] =	ssyncadd.s32 $0xFFFFFFFF  }
0xb0: {  	s5 =	sld [smem:$0x10]  }
0xb1: {  	s7 =	sld [smem:$0x18]  }
0xb2: {  	s8 =	sld [smem:$0x20];
	_ =	sdelay $0x1  }
0xb3: {  	s3 =	sshll.u32 s5, $0x5  }
0xb4: {  	s4 =	sshll.u32 s7, $0x1;
	s3 =	sand.u32 $0x1E0, s3  }
0xb5: {  	s4 =	sand.u32 $0x1E, s4;
	s3 =	sor.u32 s3, s8  }
0xb6: {  	s3 =	sor.u32 s4, s3  }
0xb7: {  	s9 =	sadd.s32 $0x800, s6;
	s10 =	sshrl.u32 s3, $0x3  }
0xb8: {  	s11 =	simm.s32 $0x28;
	s12 =	sadd.s32 $0x200, s3;
	s5 =	sadd.s32 s9, s10  }
0xb9: {  	[smem:s11], [sflag:s30] =	dma.local [hbm:s5], $0x1  }
0xba: {  	s5 =	sshrl.u32 s12, $0x3  }
0xbb: {  	s13 =	simm.s32 $0x30;
	s14 =	sadd.s32 $0x400, s3;
	s5 =	sadd.s32 s9, s5  }
0xbc: {  	[smem:s13], [sflag:s30] =	dma.local [hbm:s5], $0x1  }
0xbd: {  	s5 =	sshrl.u32 s14, $0x3  }
0xbe: {  	s15 =	simm.s32 $0x38;
	s16 =	sadd.s32 $0x600, s3;
	s5 =	sadd.s32 s9, s5  }
0xbf: {  	[smem:s15], [sflag:s30] =	dma.local [hbm:s5], $0x1  }
0xc0: {  	s5 =	sshrl.u32 s16, $0x3  }
0xc1: {  	s17 =	simm.s32 $0x40;
	s18 =	sadd.s32 $0x800, s3;
	s5 =	sadd.s32 s9, s5  }
0xc2: {  	[smem:s17], [sflag:s30] =	dma.local [hbm:s5], $0x1  }
0xc3: {  	s5 =	sshrl.u32 s18, $0x3  }
0xc4: {  	s19 =	simm.s32 $0x48;
	s4 =	sadd.s32 s9, s5  }
0xc5: {  	[smem:s19], [sflag:s30] =	dma.local [hbm:s4], $0x1  }
0xc6: {  	_ =	swait.ge [sflag:s30], $0x1  }
0xc7: {  	[sflag:s30] =	ssyncset.done $0x0  }
0xc8: {  	[sflag:s30] =	ssyncadd.s32 $0xFFFFFFFF;
	_ =	sdelay $0x2  }
0xc9: {  	_ =	swait.ge [sflag:s30], $0x1  }
0xca: {  	[sflag:s30] =	ssyncset.done $0x0  }
0xcb: {  	[sflag:s30] =	ssyncadd.s32 $0xFFFFFFFF;
	_ =	sdelay $0x2  }
0xcc: {  	_ =	swait.ge [sflag:s30], $0x1  }
0xcd: {  	[sflag:s30] =	ssyncset.done $0x0  }
0xce: {  	[sflag:s30] =	ssyncadd.s32 $0xFFFFFFFF;
	_ =	sdelay $0x2  }
0xcf: {  	_ =	swait.ge [sflag:s30], $0x1  }
0xd0: {  	[sflag:s30] =	ssyncset.done $0x0  }
0xd1: {  	[sflag:s30] =	ssyncadd.s32 $0xFFFFFFFF;
	_ =	sdelay $0x2  }
0xd2: {  	_ =	swait.ge [sflag:s30], $0x1  }
0xd3: {  	[sflag:s30] =	ssyncset.done $0x0  }
0xd4: {  	s3 =	sand.u32 $0x7, s3;
	[sflag:s30] =	ssyncadd.s32 $0xFFFFFFFF  }
0xd5: {  	s20 =	sld [smem:s3+$0x28]  }
0xd6: {  	s21 =	sld [smem:s3+$0x30]  }
0xd7: {  	s22 =	sld [smem:s3+$0x38];
	_ =	sdelay $0x1  }
0xd8: {  	s4 =	smul.f32 $8.000000000e+00, s20  }
0xd9: {  	s24 =	sld [smem:s3+$0x40];
	s5 =	smul.f32 $4.000000000e+00, s21  }
0xda: {  	s23 =	sadd.f32 s22, s22  }
0xdb: {  	s4 =	sadd.f32 s5, s4;
	_ =	sdelay $0x1  }
0xdc: {  	s4 =	sadd.f32 s23, s4;
	_ =	sdelay $0x1  }
0xdd: {  	s4 =	sadd.f32 s4, s24;
	_ =	sdelay $0x1  }
0xde: {  	[smem:$0x50] =	sst s4  }
0xdf: {  	s3 =	sld [smem:s3+$0x48];
	_ =	sdelay $0x3  }
0xe0: {  	s25 =	simm.s32 $0x50;
	s26 =	simm.s32 $0x58;
	[smem:$0x58] =	sst s3  }
0xe1: {  	[hbm:s0], [sflag:s30] =	dma.local [smem:s25], $0x1  }
0xe2: {  	[hbm:s1], [sflag:s30] =	dma.local [smem:s26], $0x1  }
0xe3: {  	_ =	swait.ge [sflag:s30], $0x1  }
0xe4: {  	[sflag:s30] =	ssyncset.done $0x0  }
0xe5: {  	[sflag:s30] =	ssyncadd.s32 $0xFFFFFFFF;
	_ =	sdelay $0x2  }
0xe6: {  	_ =	swait.ge [sflag:s30], $0x1  }
0xe7: {  	[sflag:s30] =	ssyncset.done $0x0  }
0xe8: {  	[sflag:s30] =	ssyncadd.s32 $0xFFFFFFFF  }
0xe9: {  	_ =	strace $0x90000046  }
0xea: {  	_ =	sfence  }
0xeb: {  	s28 =	sld [smem:$0x0];
	_ =	sdelay $0x1  }
0xec: {  	s29 =	srdreg.scid  }
0xed: {  	s31 =	sshrl.u32 s29, $0x2;
	s30 =	sshll.u32 s29, $0xD  }
0xee: {  	s1 =	sand.u32 $0x1, s29;
	s2 =	sand.u32 $0x4000, s30;
	s0 =	sadd.s32 s31, s28  }
0xef: {  	s1 =	sor.u32 s2, s1;
	s0 =	sshll.u32 s0, $0x11  }
0xf0: {  	s0 =	sor.u32 s0, s1  }
0xf1: {  	s0 =	sadd.s32 $0x8F2B, s0;
	(pc) =	sbr.abs _section_cstart, $3  }
0xf2: {  	[sflag:s0] =	ssyncadd.remote.s32 $0x1  }
0xf3: {  	_ =	strace $0x9FFFFFFF  }
0xf4: {  	(tm) =	ssettm $0x7FFFFFFF  }
0xf5: {  	_ =	shalt  }

</sc_bundles>
